<compile_context>
chip_gen: v7x
topology: tpu7x:2x2x1
jax: 0.10.2.dev20260603
libtpu: 0.0.44.dev20260713+nightly
codegen_flags: <defaults>
</compile_context>

<pallas_src>
import functools

import jax
import jax.numpy as jnp
from jax import lax
from jax.experimental import pallas as pl
from jax.experimental.pallas import tpu as pltpu
from jax.experimental.pallas import tpu_sc as plsc

HIDDEN = 128
NC, NS = 2, 16
NW = NC * NS
CHUNK = 128
NBUF = 4
LOOK = 3
XBUF = 2


def _make_lookup(B):
    b_per_w = B // NW
    n_chunks = b_per_w // CHUNK
    mesh = plsc.VectorSubcoreMesh(
        core_axis_name="c", subcore_axis_name="s", num_cores=NC, num_subcores=NS
    )

    @functools.partial(
        pl.kernel,
        out_type=jax.ShapeDtypeStruct((B, HIDDEN), jnp.float32),
        mesh=mesh,
        scratch_types=[
            pltpu.VMEM((n_chunks, CHUNK), jnp.int32),
            pltpu.VMEM((NBUF, CHUNK, HIDDEN), jnp.float32),
            pltpu.VMEM_SHARED((NS, XBUF, CHUNK, HIDDEN), jnp.float32),
            pltpu.SemaphoreType.DMA((NBUF,)),
            pltpu.SemaphoreType.DMA((XBUF,)),
            pltpu.SemaphoreType.DMA((XBUF,)),
        ],
    )
    def lookup(idx_hbm, table_hbm, out_hbm, idx_v, rows_v, shr, gsem, xsem, ssem):
        wid = lax.axis_index("s") * NC + lax.axis_index("c")
        sid = lax.axis_index("s")
        pltpu.sync_copy(idx_hbm.at[pl.ds(wid * n_chunks, n_chunks)], idx_v)
        base = wid * b_per_w

        for j in range(LOOK):
            pltpu.async_copy(table_hbm.at[idx_v.at[j]], rows_v.at[j], gsem.at[j])

        def store_of(c):
            pslot = lax.rem(c, XBUF)
            pltpu.make_async_copy(
                rows_v.at[0], shr.at[sid, pslot], xsem.at[pslot]
            ).wait()
            pltpu.async_copy(
                shr.at[sid, pslot],
                out_hbm.at[pl.ds(base + c * CHUNK, CHUNK)],
                ssem.at[pslot],
            )

        def body(i, carry):
            slot = lax.rem(i, NBUF)
            xslot = lax.rem(i, XBUF)

            @pl.when(i >= 1)
            def _():
                store_of(i - 1)

            j = i + LOOK

            @pl.when(j < n_chunks)
            def _():
                pltpu.async_copy(
                    table_hbm.at[idx_v.at[j]],
                    rows_v.at[lax.rem(j, NBUF)],
                    gsem.at[lax.rem(j, NBUF)],
                )

            pltpu.make_async_copy(
                table_hbm.at[idx_v.at[slot]], rows_v.at[slot], gsem.at[slot]
            ).wait()

            @pl.when(i >= XBUF)
            def _():
                pltpu.make_async_copy(
                    shr.at[sid, xslot], out_hbm.at[pl.ds(0, CHUNK)], ssem.at[xslot]
                ).wait()

            pltpu.async_copy(rows_v.at[slot], shr.at[sid, xslot], xsem.at[xslot])
            return carry

        lax.fori_loop(0, n_chunks, body, 0)

        store_of(n_chunks - 1)
        for b in range(XBUF):
            pltpu.make_async_copy(
                shr.at[sid, b], out_hbm.at[pl.ds(0, CHUNK)], ssem.at[b]
            ).wait()

    return lookup


def kernel(token_ids, table):
    B_, S_ = token_ids.shape
    flat = jnp.reshape(token_ids, (-1, CHUNK)).astype(jnp.int32)
    out = _make_lookup(B_ * S_)(flat, table)
    return jnp.reshape(out, (B_, S_, HIDDEN))

# --- scband reference (transcript-rebuilt; emitter-appended) ---
"""Pipeline reference for scband-arcembedding-1889785610995 (READ-ONLY COPY).

The authoritative reference and input builder live on the scoring server;
editing this copy changes nothing except your own understanding.
"""

import jax, jax.numpy as jnp
import numpy as np

VOCAB_SIZE = 100000
HIDDEN_DIM = 128

def setup_inputs(seed: int = 0) -> dict:
    key = jax.random.key(seed)
    k1, k2 = jax.random.split(key)
    token_ids = jax.random.randint(k1, (4096, 200), 0, VOCAB_SIZE, dtype=jnp.int64 if jax.config.jax_enable_x64 else jnp.int32)
    # Embedding table initialized like nn.init.normal_(mean=0.0, std=hidden_dim ** -0.5)
    table = jax.random.normal(k2, (VOCAB_SIZE, HIDDEN_DIM), dtype=jnp.float32) * (HIDDEN_DIM ** -0.5)
    return {"token_ids": token_ids, "table": table}

def reference(token_ids, table):
    # Faithful translation of nn.Embedding lookup: out[b, s, :] = table[token_ids[b, s], :]
    return jnp.take(table, token_ids, axis=0)

if __name__ == "__main__":
    import jax
    _d = setup_inputs()
    print(jax.jit(kernel)(*tuple(_d.values())))

</pallas_src>

<mosaic_0001>
#map = affine_map<(d0, d1) -> (0, 0)>
module attributes {stable_mosaic.version = 14 : i64} {
  func.func @lookup(%arg0: i32, %arg1: i32, %arg2: memref<6400x128xi32, #tpu.memory_space<hbm>>, %arg3: memref<100000x128xf32, #tpu.memory_space<hbm>>, %arg4: memref<819200x128xf32, #tpu.memory_space<hbm>>, %arg5: memref<200x128xi32, #tpu.memory_space<vmem>>, %arg6: memref<4x128x128xf32, #tpu.memory_space<vmem>>, %arg7: memref<16x2x128x128xf32, #tpu.memory_space<vmem_shared>>, %arg8: memref<4x!tpu.dma_semaphore, #tpu.memory_space<semaphore_mem>>, %arg9: memref<2x!tpu.dma_semaphore, #tpu.memory_space<semaphore_mem>>, %arg10: memref<2x!tpu.dma_semaphore, #tpu.memory_space<semaphore_mem>>) attributes {dimension_semantics = [#tpu.dimension_semantics<core_parallel>, #tpu.dimension_semantics<subcore_parallel>], iteration_bounds = array<i64: 2, 16>, scalar_prefetch = 0 : i64, scratch_operands = 6 : i64, tpu.core_type = #tpu.core_type<sc_vector_subcore>, window_params = [{transform_indices = #map}, {transform_indices = #map}, {transform_indices = #map}]} {
    %mul3A = arith.constant 2 : i32
    %mul3A_0 = arith.muli %arg1, %mul3A : i32
    %add3A = arith.addi %mul3A_0, %arg0 : i32
    %mul3A_1 = arith.constant 200 : i32
    %mul3A_2 = arith.muli %add3A, %mul3A_1 : i32
    "tpu.region"() ({
      %run_scoped3A = tpu.sem_alloc : memref<!tpu.dma_semaphore, #tpu.memory_space<semaphore_mem>>
      %dma_start3A_106 = arith.constant 0 : i32
      %dma_start3A_107 = tpu.memref_slice %arg2[%mul3A_2, %dma_start3A_106] : memref<6400x128xi32, #tpu.memory_space<hbm>> -> memref<200x128xi32, #tpu.memory_space<hbm>>
      %dma_start3A_108 = arith.constant 0 : i32
      %dma_start3A_109 = tpu.memref_slice %arg2[%mul3A_2, %dma_start3A_108] : memref<6400x128xi32, #tpu.memory_space<hbm>> -> memref<200x128xi32, #tpu.memory_space<hbm>>
      tpu.enqueue_dma source(%dma_start3A_109 : memref<200x128xi32, #tpu.memory_space<hbm>>) target(%arg5 : memref<200x128xi32, #tpu.memory_space<vmem>>) target_semaphore(%run_scoped3A : memref<!tpu.dma_semaphore, #tpu.memory_space<semaphore_mem>>)
      %dma_wait3A_110 = arith.constant 0 : i32
      %dma_wait3A_111 = tpu.memref_slice %arg2[%mul3A_2, %dma_wait3A_110] : memref<6400x128xi32, #tpu.memory_space<hbm>> -> memref<200x128xi32, #tpu.memory_space<hbm>>
      %dma_wait3A_112 = arith.constant 0 : i32
      %dma_wait3A_113 = tpu.memref_slice %arg2[%mul3A_2, %dma_wait3A_112] : memref<6400x128xi32, #tpu.memory_space<hbm>> -> memref<200x128xi32, #tpu.memory_space<hbm>>
      tpu.wait_dma2 semaphore(%run_scoped3A : memref<!tpu.dma_semaphore, #tpu.memory_space<semaphore_mem>>) src(%dma_wait3A_113 : memref<200x128xi32, #tpu.memory_space<hbm>>) dst(%arg5 : memref<200x128xi32, #tpu.memory_space<vmem>>)
      tpu.yield
    }) : () -> ()
    %mul3A_3 = arith.constant 25600 : i32
    %mul3A_4 = arith.muli %add3A, %mul3A_3 : i32
    %dma_start3A = arith.constant 0 : i32
    %dma_start3A_5 = arith.constant 0 : i32
    %dma_start3A_6 = arith.constant 0 : i32
    %dma_start3A_7 = arith.constant 0 : i32
    %dma_start3A_8 = arith.constant 0 : i32
    %dma_start3A_9 = tpu.memref_slice %arg6[%dma_start3A_5, %dma_start3A_7, %dma_start3A_8] : memref<4x128x128xf32, #tpu.memory_space<vmem>> -> memref<1x128x128xf32, #tpu.memory_space<vmem>>
    %dma_start3A_10 = tpu.memref_squeeze %dma_start3A_9 : memref<1x128x128xf32, #tpu.memory_space<vmem>> -> memref<128x128xf32, #tpu.memory_space<vmem>>
    %dma_start3A_11 = arith.constant 0 : i32
    %dma_start3A_12 = tpu.memref_slice %arg5[%dma_start3A, %dma_start3A_11] : memref<200x128xi32, #tpu.memory_space<vmem>> -> memref<1x128xi32, #tpu.memory_space<vmem>>
    %dma_start3A_13 = tpu.memref_squeeze %dma_start3A_12 : memref<1x128xi32, #tpu.memory_space<vmem>> -> memref<128xi32, #tpu.memory_space<vmem>>
    %dma_start3A_14 = arith.constant 0 : i32
    %dma_start3A_15 = arith.constant 0 : i32
    %dma_start3A_16 = tpu.memref_slice %arg3[%dma_start3A_14, %dma_start3A_15] : memref<100000x128xf32, #tpu.memory_space<hbm>> -> memref<100000x128xf32, #tpu.memory_space<hbm>>
    %dma_start3A_17 = tpu.memref_slice %arg8[%dma_start3A_6] : memref<4x!tpu.dma_semaphore, #tpu.memory_space<semaphore_mem>> -> memref<1x!tpu.dma_semaphore, #tpu.memory_space<semaphore_mem>>
    %dma_start3A_18 = tpu.memref_squeeze %dma_start3A_17 : memref<1x!tpu.dma_semaphore, #tpu.memory_space<semaphore_mem>> -> memref<!tpu.dma_semaphore, #tpu.memory_space<semaphore_mem>>
    tpu.enqueue_indirect_dma source(%dma_start3A_16 : memref<100000x128xf32, #tpu.memory_space<hbm>>) target(%dma_start3A_10 : memref<128x128xf32, #tpu.memory_space<vmem>>) offsets(%dma_start3A_13 : memref<128xi32, #tpu.memory_space<vmem>>) semaphore(%dma_start3A_18 : memref<!tpu.dma_semaphore, #tpu.memory_space<semaphore_mem>>)
    %dma_start3A_19 = arith.constant 1 : i32
    %dma_start3A_20 = arith.constant 1 : i32
    %dma_start3A_21 = arith.constant 1 : i32
    %dma_start3A_22 = arith.constant 0 : i32
    %dma_start3A_23 = arith.constant 0 : i32
    %dma_start3A_24 = tpu.memref_slice %arg6[%dma_start3A_20, %dma_start3A_22, %dma_start3A_23] : memref<4x128x128xf32, #tpu.memory_space<vmem>> -> memref<1x128x128xf32, #tpu.memory_space<vmem>>
    %dma_start3A_25 = tpu.memref_squeeze %dma_start3A_24 : memref<1x128x128xf32, #tpu.memory_space<vmem>> -> memref<128x128xf32, #tpu.memory_space<vmem>>
    %dma_start3A_26 = arith.constant 0 : i32
    %dma_start3A_27 = tpu.memref_slice %arg5[%dma_start3A_19, %dma_start3A_26] : memref<200x128xi32, #tpu.memory_space<vmem>> -> memref<1x128xi32, #tpu.memory_space<vmem>>
    %dma_start3A_28 = tpu.memref_squeeze %dma_start3A_27 : memref<1x128xi32, #tpu.memory_space<vmem>> -> memref<128xi32, #tpu.memory_space<vmem>>
    %dma_start3A_29 = arith.constant 0 : i32
    %dma_start3A_30 = arith.constant 0 : i32
    %dma_start3A_31 = tpu.memref_slice %arg3[%dma_start3A_29, %dma_start3A_30] : memref<100000x128xf32, #tpu.memory_space<hbm>> -> memref<100000x128xf32, #tpu.memory_space<hbm>>
    %dma_start3A_32 = tpu.memref_slice %arg8[%dma_start3A_21] : memref<4x!tpu.dma_semaphore, #tpu.memory_space<semaphore_mem>> -> memref<1x!tpu.dma_semaphore, #tpu.memory_space<semaphore_mem>>
    %dma_start3A_33 = tpu.memref_squeeze %dma_start3A_32 : memref<1x!tpu.dma_semaphore, #tpu.memory_space<semaphore_mem>> -> memref<!tpu.dma_semaphore, #tpu.memory_space<semaphore_mem>>
    tpu.enqueue_indirect_dma source(%dma_start3A_31 : memref<100000x128xf32, #tpu.memory_space<hbm>>) target(%dma_start3A_25 : memref<128x128xf32, #tpu.memory_space<vmem>>) offsets(%dma_start3A_28 : memref<128xi32, #tpu.memory_space<vmem>>) semaphore(%dma_start3A_33 : memref<!tpu.dma_semaphore, #tpu.memory_space<semaphore_mem>>)
    %dma_start3A_34 = arith.constant 2 : i32
    %dma_start3A_35 = arith.constant 2 : i32
    %dma_start3A_36 = arith.constant 2 : i32
    %dma_start3A_37 = arith.constant 0 : i32
    %dma_start3A_38 = arith.constant 0 : i32
    %dma_start3A_39 = tpu.memref_slice %arg6[%dma_start3A_35, %dma_start3A_37, %dma_start3A_38] : memref<4x128x128xf32, #tpu.memory_space<vmem>> -> memref<1x128x128xf32, #tpu.memory_space<vmem>>
    %dma_start3A_40 = tpu.memref_squeeze %dma_start3A_39 : memref<1x128x128xf32, #tpu.memory_space<vmem>> -> memref<128x128xf32, #tpu.memory_space<vmem>>
    %dma_start3A_41 = arith.constant 0 : i32
    %dma_start3A_42 = tpu.memref_slice %arg5[%dma_start3A_34, %dma_start3A_41] : memref<200x128xi32, #tpu.memory_space<vmem>> -> memref<1x128xi32, #tpu.memory_space<vmem>>
    %dma_start3A_43 = tpu.memref_squeeze %dma_start3A_42 : memref<1x128xi32, #tpu.memory_space<vmem>> -> memref<128xi32, #tpu.memory_space<vmem>>
    %dma_start3A_44 = arith.constant 0 : i32
    %dma_start3A_45 = arith.constant 0 : i32
    %dma_start3A_46 = tpu.memref_slice %arg3[%dma_start3A_44, %dma_start3A_45] : memref<100000x128xf32, #tpu.memory_space<hbm>> -> memref<100000x128xf32, #tpu.memory_space<hbm>>
    %dma_start3A_47 = tpu.memref_slice %arg8[%dma_start3A_36] : memref<4x!tpu.dma_semaphore, #tpu.memory_space<semaphore_mem>> -> memref<1x!tpu.dma_semaphore, #tpu.memory_space<semaphore_mem>>
    %dma_start3A_48 = tpu.memref_squeeze %dma_start3A_47 : memref<1x!tpu.dma_semaphore, #tpu.memory_space<semaphore_mem>> -> memref<!tpu.dma_semaphore, #tpu.memory_space<semaphore_mem>>
    tpu.enqueue_indirect_dma source(%dma_start3A_46 : memref<100000x128xf32, #tpu.memory_space<hbm>>) target(%dma_start3A_40 : memref<128x128xf32, #tpu.memory_space<vmem>>) offsets(%dma_start3A_43 : memref<128xi32, #tpu.memory_space<vmem>>) semaphore(%dma_start3A_48 : memref<!tpu.dma_semaphore, #tpu.memory_space<semaphore_mem>>)
    %scan3A = arith.constant 0 : i32
    %scan3A_49 = arith.constant 0 : i32
    %scan3A_50 = arith.constant 200 : i32
    %scan3A_51 = arith.addi %scan3A_49, %scan3A_50 : i32
    %scan3A_52 = arith.constant 1 : i32
    scf.for %scan3A_106 = %scan3A_49 to %scan3A_51 step %scan3A_52  : i32 {
      %rem3A_107 = arith.constant 4 : i32
      %rem3A_108 = arith.remsi %scan3A_106, %rem3A_107 : i32
      %rem3A_109 = arith.constant 2 : i32
      %rem3A_110 = arith.remsi %scan3A_106, %rem3A_109 : i32
      %ge3A = arith.constant 1 : i32
      %ge3A_111 = arith.cmpi sge, %scan3A_106, %ge3A : i32
      %convert_element_type3A = arith.extui %ge3A_111 : i1 to i32
      %cond3A = arith.constant 0 : i32
      %cond3A_112 = arith.cmpi ne, %convert_element_type3A, %cond3A : i32
      scf.if %cond3A_112 {
        %sub3A = arith.constant 1 : i32
        %sub3A_154 = arith.subi %scan3A_106, %sub3A : i32
        %rem3A_155 = arith.constant 2 : i32
        %rem3A_156 = arith.remsi %sub3A_154, %rem3A_155 : i32
        %dma_wait3A_157 = arith.constant 0 : i32
        %dma_wait3A_158 = arith.constant 0 : i32
        %dma_wait3A_159 = arith.constant 0 : i32
        %dma_wait3A_160 = tpu.memref_slice %arg6[%dma_wait3A_157, %dma_wait3A_158, %dma_wait3A_159] : memref<4x128x128xf32, #tpu.memory_space<vmem>> -> memref<1x128x128xf32, #tpu.memory_space<vmem>>
        %dma_wait3A_161 = tpu.memref_squeeze %dma_wait3A_160 : memref<1x128x128xf32, #tpu.memory_space<vmem>> -> memref<128x128xf32, #tpu.memory_space<vmem>>
        %dma_wait3A_162 = arith.constant 0 : i32
        %dma_wait3A_163 = arith.constant 0 : i32
        %dma_wait3A_164 = tpu.memref_slice %arg7[%arg1, %rem3A_156, %dma_wait3A_162, %dma_wait3A_163] : memref<16x2x128x128xf32, #tpu.memory_space<vmem_shared>> -> memref<1x1x128x128xf32, #tpu.memory_space<vmem_shared>>
        %dma_wait3A_165 = tpu.memref_squeeze %dma_wait3A_164 : memref<1x1x128x128xf32, #tpu.memory_space<vmem_shared>> -> memref<128x128xf32, #tpu.memory_space<vmem_shared>>
        %dma_wait3A_166 = tpu.memref_slice %arg9[%rem3A_156] : memref<2x!tpu.dma_semaphore, #tpu.memory_space<semaphore_mem>> -> memref<1x!tpu.dma_semaphore, #tpu.memory_space<semaphore_mem>>
        %dma_wait3A_167 = tpu.memref_squeeze %dma_wait3A_166 : memref<1x!tpu.dma_semaphore, #tpu.memory_space<semaphore_mem>> -> memref<!tpu.dma_semaphore, #tpu.memory_space<semaphore_mem>>
        %dma_wait3A_168 = arith.constant 0 : i32
        %dma_wait3A_169 = arith.constant 0 : i32
        %dma_wait3A_170 = tpu.memref_slice %arg7[%arg1, %rem3A_156, %dma_wait3A_168, %dma_wait3A_169] : memref<16x2x128x128xf32, #tpu.memory_space<vmem_shared>> -> memref<1x1x128x128xf32, #tpu.memory_space<vmem_shared>>
        %dma_wait3A_171 = tpu.memref_squeeze %dma_wait3A_170 : memref<1x1x128x128xf32, #tpu.memory_space<vmem_shared>> -> memref<128x128xf32, #tpu.memory_space<vmem_shared>>
        %dma_wait3A_172 = arith.constant 0 : i32
        %dma_wait3A_173 = arith.constant 0 : i32
        %dma_wait3A_174 = tpu.memref_slice %arg6[%dma_wait3A_157, %dma_wait3A_172, %dma_wait3A_173] : memref<4x128x128xf32, #tpu.memory_space<vmem>> -> memref<1x128x128xf32, #tpu.memory_space<vmem>>
        %dma_wait3A_175 = tpu.memref_squeeze %dma_wait3A_174 : memref<1x128x128xf32, #tpu.memory_space<vmem>> -> memref<128x128xf32, #tpu.memory_space<vmem>>
        tpu.wait_dma2 semaphore(%dma_wait3A_167 : memref<!tpu.dma_semaphore, #tpu.memory_space<semaphore_mem>>) src(%dma_wait3A_175 : memref<128x128xf32, #tpu.memory_space<vmem>>) dst(%dma_wait3A_171 : memref<128x128xf32, #tpu.memory_space<vmem_shared>>)
        %mul3A_176 = arith.constant 128 : i32
        %mul3A_177 = arith.muli %sub3A_154, %mul3A_176 : i32
        %add3A_178 = arith.addi %mul3A_4, %mul3A_177 : i32
        %dma_start3A_179 = tpu.memref_slice %arg10[%rem3A_156] : memref<2x!tpu.dma_semaphore, #tpu.memory_space<semaphore_mem>> -> memref<1x!tpu.dma_semaphore, #tpu.memory_space<semaphore_mem>>
        %dma_start3A_180 = tpu.memref_squeeze %dma_start3A_179 : memref<1x!tpu.dma_semaphore, #tpu.memory_space<semaphore_mem>> -> memref<!tpu.dma_semaphore, #tpu.memory_space<semaphore_mem>>
        %dma_start3A_181 = arith.constant 0 : i32
        %dma_start3A_182 = tpu.memref_slice %arg4[%add3A_178, %dma_start3A_181] : memref<819200x128xf32, #tpu.memory_space<hbm>> -> memref<128x128xf32, #tpu.memory_space<hbm>>
        %dma_start3A_183 = arith.constant 0 : i32
        %dma_start3A_184 = arith.constant 0 : i32
        %dma_start3A_185 = tpu.memref_slice %arg7[%arg1, %rem3A_156, %dma_start3A_183, %dma_start3A_184] : memref<16x2x128x128xf32, #tpu.memory_space<vmem_shared>> -> memref<1x1x128x128xf32, #tpu.memory_space<vmem_shared>>
        %dma_start3A_186 = tpu.memref_squeeze %dma_start3A_185 : memref<1x1x128x128xf32, #tpu.memory_space<vmem_shared>> -> memref<128x128xf32, #tpu.memory_space<vmem_shared>>
        tpu.enqueue_dma source(%dma_start3A_186 : memref<128x128xf32, #tpu.memory_space<vmem_shared>>) target(%dma_start3A_182 : memref<128x128xf32, #tpu.memory_space<hbm>>) target_semaphore(%dma_start3A_180 : memref<!tpu.dma_semaphore, #tpu.memory_space<semaphore_mem>>)
      } else {
      }
      %add3A_113 = arith.constant 3 : i32
      %add3A_114 = arith.addi %scan3A_106, %add3A_113 : i32
      %lt3A = arith.constant 200 : i32
      %lt3A_115 = arith.cmpi slt, %add3A_114, %lt3A : i32
      %convert_element_type3A_116 = arith.extui %lt3A_115 : i1 to i32
      %cond3A_117 = arith.constant 0 : i32
      %cond3A_118 = arith.cmpi ne, %convert_element_type3A_116, %cond3A_117 : i32
      scf.if %cond3A_118 {
        %rem3A_154 = arith.constant 4 : i32
        %rem3A_155 = arith.remsi %add3A_114, %rem3A_154 : i32
        %rem3A_156 = arith.constant 4 : i32
        %rem3A_157 = arith.remsi %add3A_114, %rem3A_156 : i32
        %dma_start3A_158 = arith.constant 0 : i32
        %dma_start3A_159 = arith.constant 0 : i32
        %dma_start3A_160 = tpu.memref_slice %arg6[%rem3A_155, %dma_start3A_158, %dma_start3A_159] : memref<4x128x128xf32, #tpu.memory_space<vmem>> -> memref<1x128x128xf32, #tpu.memory_space<vmem>>
        %dma_start3A_161 = tpu.memref_squeeze %dma_start3A_160 : memref<1x128x128xf32, #tpu.memory_space<vmem>> -> memref<128x128xf32, #tpu.memory_space<vmem>>
        %dma_start3A_162 = arith.constant 0 : i32
        %dma_start3A_163 = tpu.memref_slice %arg5[%add3A_114, %dma_start3A_162] : memref<200x128xi32, #tpu.memory_space<vmem>> -> memref<1x128xi32, #tpu.memory_space<vmem>>
        %dma_start3A_164 = tpu.memref_squeeze %dma_start3A_163 : memref<1x128xi32, #tpu.memory_space<vmem>> -> memref<128xi32, #tpu.memory_space<vmem>>
        %dma_start3A_165 = arith.constant 0 : i32
        %dma_start3A_166 = arith.constant 0 : i32
        %dma_start3A_167 = tpu.memref_slice %arg3[%dma_start3A_165, %dma_start3A_166] : memref<100000x128xf32, #tpu.memory_space<hbm>> -> memref<100000x128xf32, #tpu.memory_space<hbm>>
        %dma_start3A_168 = tpu.memref_slice %arg8[%rem3A_157] : memref<4x!tpu.dma_semaphore, #tpu.memory_space<semaphore_mem>> -> memref<1x!tpu.dma_semaphore, #tpu.memory_space<semaphore_mem>>
        %dma_start3A_169 = tpu.memref_squeeze %dma_start3A_168 : memref<1x!tpu.dma_semaphore, #tpu.memory_space<semaphore_mem>> -> memref<!tpu.dma_semaphore, #tpu.memory_space<semaphore_mem>>
        tpu.enqueue_indirect_dma source(%dma_start3A_167 : memref<100000x128xf32, #tpu.memory_space<hbm>>) target(%dma_start3A_161 : memref<128x128xf32, #tpu.memory_space<vmem>>) offsets(%dma_start3A_164 : memref<128xi32, #tpu.memory_space<vmem>>) semaphore(%dma_start3A_169 : memref<!tpu.dma_semaphore, #tpu.memory_space<semaphore_mem>>)
      } else {
      }
      %dma_wait3A_119 = arith.constant 0 : i32
      %dma_wait3A_120 = arith.constant 0 : i32
      %dma_wait3A_121 = tpu.memref_slice %arg6[%rem3A_108, %dma_wait3A_119, %dma_wait3A_120] : memref<4x128x128xf32, #tpu.memory_space<vmem>> -> memref<1x128x128xf32, #tpu.memory_space<vmem>>
      %dma_wait3A_122 = tpu.memref_squeeze %dma_wait3A_121 : memref<1x128x128xf32, #tpu.memory_space<vmem>> -> memref<128x128xf32, #tpu.memory_space<vmem>>
      %dma_wait3A_123 = arith.constant 0 : i32
      %dma_wait3A_124 = tpu.memref_slice %arg5[%rem3A_108, %dma_wait3A_123] : memref<200x128xi32, #tpu.memory_space<vmem>> -> memref<1x128xi32, #tpu.memory_space<vmem>>
      %dma_wait3A_125 = tpu.memref_squeeze %dma_wait3A_124 : memref<1x128xi32, #tpu.memory_space<vmem>> -> memref<128xi32, #tpu.memory_space<vmem>>
      %dma_wait3A_126 = arith.constant 0 : i32
      %dma_wait3A_127 = arith.constant 0 : i32
      %dma_wait3A_128 = tpu.memref_slice %arg3[%dma_wait3A_126, %dma_wait3A_127] : memref<100000x128xf32, #tpu.memory_space<hbm>> -> memref<100000x128xf32, #tpu.memory_space<hbm>>
      %dma_wait3A_129 = tpu.memref_slice %arg8[%rem3A_108] : memref<4x!tpu.dma_semaphore, #tpu.memory_space<semaphore_mem>> -> memref<1x!tpu.dma_semaphore, #tpu.memory_space<semaphore_mem>>
      %dma_wait3A_130 = tpu.memref_squeeze %dma_wait3A_129 : memref<1x!tpu.dma_semaphore, #tpu.memory_space<semaphore_mem>> -> memref<!tpu.dma_semaphore, #tpu.memory_space<semaphore_mem>>
      tpu.wait_indirect_dma semaphore(%dma_wait3A_130 : memref<!tpu.dma_semaphore, #tpu.memory_space<semaphore_mem>>) src(%dma_wait3A_128 : memref<100000x128xf32, #tpu.memory_space<hbm>>) dst(%dma_wait3A_122 : memref<128x128xf32, #tpu.memory_space<vmem>>)
      %ge3A_131 = arith.constant 2 : i32
      %ge3A_132 = arith.cmpi sge, %scan3A_106, %ge3A_131 : i32
      %convert_element_type3A_133 = arith.extui %ge3A_132 : i1 to i32
      %cond3A_134 = arith.constant 0 : i32
      %cond3A_135 = arith.cmpi ne, %convert_element_type3A_133, %cond3A_134 : i32
      scf.if %cond3A_135 {
        %dma_wait3A_154 = tpu.memref_slice %arg10[%rem3A_110] : memref<2x!tpu.dma_semaphore, #tpu.memory_space<semaphore_mem>> -> memref<1x!tpu.dma_semaphore, #tpu.memory_space<semaphore_mem>>
        %dma_wait3A_155 = tpu.memref_squeeze %dma_wait3A_154 : memref<1x!tpu.dma_semaphore, #tpu.memory_space<semaphore_mem>> -> memref<!tpu.dma_semaphore, #tpu.memory_space<semaphore_mem>>
        %dma_wait3A_156 = arith.constant 0 : i32
        %dma_wait3A_157 = arith.constant 0 : i32
        %dma_wait3A_158 = tpu.memref_slice %arg4[%dma_wait3A_156, %dma_wait3A_157] : memref<819200x128xf32, #tpu.memory_space<hbm>> -> memref<128x128xf32, #tpu.memory_space<hbm>>
        %dma_wait3A_159 = arith.constant 0 : i32
        %dma_wait3A_160 = arith.constant 0 : i32
        %dma_wait3A_161 = tpu.memref_slice %arg7[%arg1, %rem3A_110, %dma_wait3A_159, %dma_wait3A_160] : memref<16x2x128x128xf32, #tpu.memory_space<vmem_shared>> -> memref<1x1x128x128xf32, #tpu.memory_space<vmem_shared>>
        %dma_wait3A_162 = tpu.memref_squeeze %dma_wait3A_161 : memref<1x1x128x128xf32, #tpu.memory_space<vmem_shared>> -> memref<128x128xf32, #tpu.memory_space<vmem_shared>>
        tpu.wait_dma2 semaphore(%dma_wait3A_155 : memref<!tpu.dma_semaphore, #tpu.memory_space<semaphore_mem>>) src(%dma_wait3A_162 : memref<128x128xf32, #tpu.memory_space<vmem_shared>>) dst(%dma_wait3A_158 : memref<128x128xf32, #tpu.memory_space<hbm>>)
      } else {
      }
      %dma_start3A_136 = arith.constant 0 : i32
      %dma_start3A_137 = arith.constant 0 : i32
      %dma_start3A_138 = tpu.memref_slice %arg6[%rem3A_108, %dma_start3A_136, %dma_start3A_137] : memref<4x128x128xf32, #tpu.memory_space<vmem>> -> memref<1x128x128xf32, #tpu.memory_space<vmem>>
      %dma_start3A_139 = tpu.memref_squeeze %dma_start3A_138 : memref<1x128x128xf32, #tpu.memory_space<vmem>> -> memref<128x128xf32, #tpu.memory_space<vmem>>
      %dma_start3A_140 = arith.constant 0 : i32
      %dma_start3A_141 = arith.constant 0 : i32
      %dma_start3A_142 = tpu.memref_slice %arg7[%arg1, %rem3A_110, %dma_start3A_140, %dma_start3A_141] : memref<16x2x128x128xf32, #tpu.memory_space<vmem_shared>> -> memref<1x1x128x128xf32, #tpu.memory_space<vmem_shared>>
      %dma_start3A_143 = tpu.memref_squeeze %dma_start3A_142 : memref<1x1x128x128xf32, #tpu.memory_space<vmem_shared>> -> memref<128x128xf32, #tpu.memory_space<vmem_shared>>
      %dma_start3A_144 = tpu.memref_slice %arg9[%rem3A_110] : memref<2x!tpu.dma_semaphore, #tpu.memory_space<semaphore_mem>> -> memref<1x!tpu.dma_semaphore, #tpu.memory_space<semaphore_mem>>
      %dma_start3A_145 = tpu.memref_squeeze %dma_start3A_144 : memref<1x!tpu.dma_semaphore, #tpu.memory_space<semaphore_mem>> -> memref<!tpu.dma_semaphore, #tpu.memory_space<semaphore_mem>>
      %dma_start3A_146 = arith.constant 0 : i32
      %dma_start3A_147 = arith.constant 0 : i32
      %dma_start3A_148 = tpu.memref_slice %arg7[%arg1, %rem3A_110, %dma_start3A_146, %dma_start3A_147] : memref<16x2x128x128xf32, #tpu.memory_space<vmem_shared>> -> memref<1x1x128x128xf32, #tpu.memory_space<vmem_shared>>
      %dma_start3A_149 = tpu.memref_squeeze %dma_start3A_148 : memref<1x1x128x128xf32, #tpu.memory_space<vmem_shared>> -> memref<128x128xf32, #tpu.memory_space<vmem_shared>>
      %dma_start3A_150 = arith.constant 0 : i32
      %dma_start3A_151 = arith.constant 0 : i32
      %dma_start3A_152 = tpu.memref_slice %arg6[%rem3A_108, %dma_start3A_150, %dma_start3A_151] : memref<4x128x128xf32, #tpu.memory_space<vmem>> -> memref<1x128x128xf32, #tpu.memory_space<vmem>>
      %dma_start3A_153 = tpu.memref_squeeze %dma_start3A_152 : memref<1x128x128xf32, #tpu.memory_space<vmem>> -> memref<128x128xf32, #tpu.memory_space<vmem>>
      tpu.enqueue_dma source(%dma_start3A_153 : memref<128x128xf32, #tpu.memory_space<vmem>>) target(%dma_start3A_149 : memref<128x128xf32, #tpu.memory_space<vmem_shared>>) target_semaphore(%dma_start3A_145 : memref<!tpu.dma_semaphore, #tpu.memory_space<semaphore_mem>>)
    }
    %scan3A_53 = arith.constant 200 : i32
    %rem3A = arith.constant 199 : i32
    %rem3A_54 = arith.constant 2 : i32
    %rem3A_55 = arith.remsi %rem3A, %rem3A_54 : i32
    %dma_wait3A = arith.constant 0 : i32
    %dma_wait3A_56 = arith.constant 0 : i32
    %dma_wait3A_57 = arith.constant 0 : i32
    %dma_wait3A_58 = tpu.memref_slice %arg6[%dma_wait3A, %dma_wait3A_56, %dma_wait3A_57] : memref<4x128x128xf32, #tpu.memory_space<vmem>> -> memref<1x128x128xf32, #tpu.memory_space<vmem>>
    %dma_wait3A_59 = tpu.memref_squeeze %dma_wait3A_58 : memref<1x128x128xf32, #tpu.memory_space<vmem>> -> memref<128x128xf32, #tpu.memory_space<vmem>>
    %dma_wait3A_60 = arith.constant 0 : i32
    %dma_wait3A_61 = arith.constant 0 : i32
    %dma_wait3A_62 = tpu.memref_slice %arg7[%arg1, %rem3A_55, %dma_wait3A_60, %dma_wait3A_61] : memref<16x2x128x128xf32, #tpu.memory_space<vmem_shared>> -> memref<1x1x128x128xf32, #tpu.memory_space<vmem_shared>>
    %dma_wait3A_63 = tpu.memref_squeeze %dma_wait3A_62 : memref<1x1x128x128xf32, #tpu.memory_space<vmem_shared>> -> memref<128x128xf32, #tpu.memory_space<vmem_shared>>
    %dma_wait3A_64 = tpu.memref_slice %arg9[%rem3A_55] : memref<2x!tpu.dma_semaphore, #tpu.memory_space<semaphore_mem>> -> memref<1x!tpu.dma_semaphore, #tpu.memory_space<semaphore_mem>>
    %dma_wait3A_65 = tpu.memref_squeeze %dma_wait3A_64 : memref<1x!tpu.dma_semaphore, #tpu.memory_space<semaphore_mem>> -> memref<!tpu.dma_semaphore, #tpu.memory_space<semaphore_mem>>
    %dma_wait3A_66 = arith.constant 0 : i32
    %dma_wait3A_67 = arith.constant 0 : i32
    %dma_wait3A_68 = tpu.memref_slice %arg7[%arg1, %rem3A_55, %dma_wait3A_66, %dma_wait3A_67] : memref<16x2x128x128xf32, #tpu.memory_space<vmem_shared>> -> memref<1x1x128x128xf32, #tpu.memory_space<vmem_shared>>
    %dma_wait3A_69 = tpu.memref_squeeze %dma_wait3A_68 : memref<1x1x128x128xf32, #tpu.memory_space<vmem_shared>> -> memref<128x128xf32, #tpu.memory_space<vmem_shared>>
    %dma_wait3A_70 = arith.constant 0 : i32
    %dma_wait3A_71 = arith.constant 0 : i32
    %dma_wait3A_72 = tpu.memref_slice %arg6[%dma_wait3A, %dma_wait3A_70, %dma_wait3A_71] : memref<4x128x128xf32, #tpu.memory_space<vmem>> -> memref<1x128x128xf32, #tpu.memory_space<vmem>>
    %dma_wait3A_73 = tpu.memref_squeeze %dma_wait3A_72 : memref<1x128x128xf32, #tpu.memory_space<vmem>> -> memref<128x128xf32, #tpu.memory_space<vmem>>
    tpu.wait_dma2 semaphore(%dma_wait3A_65 : memref<!tpu.dma_semaphore, #tpu.memory_space<semaphore_mem>>) src(%dma_wait3A_73 : memref<128x128xf32, #tpu.memory_space<vmem>>) dst(%dma_wait3A_69 : memref<128x128xf32, #tpu.memory_space<vmem_shared>>)
    %add3A_74 = arith.constant 25472 : i32
    %add3A_75 = arith.addi %mul3A_4, %add3A_74 : i32
    %dma_start3A_76 = tpu.memref_slice %arg10[%rem3A_55] : memref<2x!tpu.dma_semaphore, #tpu.memory_space<semaphore_mem>> -> memref<1x!tpu.dma_semaphore, #tpu.memory_space<semaphore_mem>>
    %dma_start3A_77 = tpu.memref_squeeze %dma_start3A_76 : memref<1x!tpu.dma_semaphore, #tpu.memory_space<semaphore_mem>> -> memref<!tpu.dma_semaphore, #tpu.memory_space<semaphore_mem>>
    %dma_start3A_78 = arith.constant 0 : i32
    %dma_start3A_79 = tpu.memref_slice %arg4[%add3A_75, %dma_start3A_78] : memref<819200x128xf32, #tpu.memory_space<hbm>> -> memref<128x128xf32, #tpu.memory_space<hbm>>
    %dma_start3A_80 = arith.constant 0 : i32
    %dma_start3A_81 = arith.constant 0 : i32
    %dma_start3A_82 = tpu.memref_slice %arg7[%arg1, %rem3A_55, %dma_start3A_80, %dma_start3A_81] : memref<16x2x128x128xf32, #tpu.memory_space<vmem_shared>> -> memref<1x1x128x128xf32, #tpu.memory_space<vmem_shared>>
    %dma_start3A_83 = tpu.memref_squeeze %dma_start3A_82 : memref<1x1x128x128xf32, #tpu.memory_space<vmem_shared>> -> memref<128x128xf32, #tpu.memory_space<vmem_shared>>
    tpu.enqueue_dma source(%dma_start3A_83 : memref<128x128xf32, #tpu.memory_space<vmem_shared>>) target(%dma_start3A_79 : memref<128x128xf32, #tpu.memory_space<hbm>>) target_semaphore(%dma_start3A_77 : memref<!tpu.dma_semaphore, #tpu.memory_space<semaphore_mem>>)
    %dma_wait3A_84 = arith.constant 0 : i32
    %dma_wait3A_85 = arith.constant 0 : i32
    %dma_wait3A_86 = tpu.memref_slice %arg10[%dma_wait3A_85] : memref<2x!tpu.dma_semaphore, #tpu.memory_space<semaphore_mem>> -> memref<1x!tpu.dma_semaphore, #tpu.memory_space<semaphore_mem>>
    %dma_wait3A_87 = tpu.memref_squeeze %dma_wait3A_86 : memref<1x!tpu.dma_semaphore, #tpu.memory_space<semaphore_mem>> -> memref<!tpu.dma_semaphore, #tpu.memory_space<semaphore_mem>>
    %dma_wait3A_88 = arith.constant 0 : i32
    %dma_wait3A_89 = arith.constant 0 : i32
    %dma_wait3A_90 = tpu.memref_slice %arg4[%dma_wait3A_88, %dma_wait3A_89] : memref<819200x128xf32, #tpu.memory_space<hbm>> -> memref<128x128xf32, #tpu.memory_space<hbm>>
    %dma_wait3A_91 = arith.constant 0 : i32
    %dma_wait3A_92 = arith.constant 0 : i32
    %dma_wait3A_93 = tpu.memref_slice %arg7[%arg1, %dma_wait3A_84, %dma_wait3A_91, %dma_wait3A_92] : memref<16x2x128x128xf32, #tpu.memory_space<vmem_shared>> -> memref<1x1x128x128xf32, #tpu.memory_space<vmem_shared>>
    %dma_wait3A_94 = tpu.memref_squeeze %dma_wait3A_93 : memref<1x1x128x128xf32, #tpu.memory_space<vmem_shared>> -> memref<128x128xf32, #tpu.memory_space<vmem_shared>>
    tpu.wait_dma2 semaphore(%dma_wait3A_87 : memref<!tpu.dma_semaphore, #tpu.memory_space<semaphore_mem>>) src(%dma_wait3A_94 : memref<128x128xf32, #tpu.memory_space<vmem_shared>>) dst(%dma_wait3A_90 : memref<128x128xf32, #tpu.memory_space<hbm>>)
    %dma_wait3A_95 = arith.constant 1 : i32
    %dma_wait3A_96 = arith.constant 1 : i32
    %dma_wait3A_97 = tpu.memref_slice %arg10[%dma_wait3A_96] : memref<2x!tpu.dma_semaphore, #tpu.memory_space<semaphore_mem>> -> memref<1x!tpu.dma_semaphore, #tpu.memory_space<semaphore_mem>>
    %dma_wait3A_98 = tpu.memref_squeeze %dma_wait3A_97 : memref<1x!tpu.dma_semaphore, #tpu.memory_space<semaphore_mem>> -> memref<!tpu.dma_semaphore, #tpu.memory_space<semaphore_mem>>
    %dma_wait3A_99 = arith.constant 0 : i32
    %dma_wait3A_100 = arith.constant 0 : i32
    %dma_wait3A_101 = tpu.memref_slice %arg4[%dma_wait3A_99, %dma_wait3A_100] : memref<819200x128xf32, #tpu.memory_space<hbm>> -> memref<128x128xf32, #tpu.memory_space<hbm>>
    %dma_wait3A_102 = arith.constant 0 : i32
    %dma_wait3A_103 = arith.constant 0 : i32
    %dma_wait3A_104 = tpu.memref_slice %arg7[%arg1, %dma_wait3A_95, %dma_wait3A_102, %dma_wait3A_103] : memref<16x2x128x128xf32, #tpu.memory_space<vmem_shared>> -> memref<1x1x128x128xf32, #tpu.memory_space<vmem_shared>>
    %dma_wait3A_105 = tpu.memref_squeeze %dma_wait3A_104 : memref<1x1x128x128xf32, #tpu.memory_space<vmem_shared>> -> memref<128x128xf32, #tpu.memory_space<vmem_shared>>
    tpu.wait_dma2 semaphore(%dma_wait3A_98 : memref<!tpu.dma_semaphore, #tpu.memory_space<semaphore_mem>>) src(%dma_wait3A_105 : memref<128x128xf32, #tpu.memory_space<vmem_shared>>) dst(%dma_wait3A_101 : memref<128x128xf32, #tpu.memory_space<hbm>>)
    return
  }
}

</mosaic_0001>

<sc_bundles>
// kernel: kernel.3.cloned.1.call-start
scs
__scs_entry_jumppad:
0x0: {  	(pc) =	sbr.rel $0x88, $3  }
0x1: {  	(tag) =	ssettag $0x0;
	lr =	simm.s32 $0x1  }
0x2: {  	[smem:$0x3F9F] =	sst lr;
	_ =	strace $0xD0000000  }
0x3: {  	_ = 	snop  }
0x4: {  	_ = 	snop  }
0x5: {  	_ = 	snop  }
0x6: {  	_ = 	snop  }
0x7: {  	_ = 	snop  }
__scs_overlays_trampoline_lowered:
0x8: {  	[smem:$0x3FAE] =	sst s0  }
0x9: {  	[smem:$0x3FAF] =	sst s1  }
0xa: {  	[smem:$0x3FB0] =	sst s2  }
0xb: {  	[smem:$0x3FB1] =	sst s3  }
0xc: {  	[smem:$0x3FB2] =	sst s4  }
0xd: {  	[smem:$0x3FB3] =	sst s5  }
0xe: {  	[smem:$0x3FB4] =	sst s6  }
0xf: {  	[smem:$0x3FB5] =	sst s7  }
0x10: {  	[smem:$0x3FB6] =	sst s8  }
0x11: {  	[smem:$0x3FB7] =	sst s9;
	s0 =	simm.s32 @!p0 $0x0  }
0x12: {  	s1 =	sld [smem:$0x3F9D];
	s0 =	simm.s32 @p0 $0x1  }
0x13: {  	[smem:$0x3FB8] =	sst s0;
	s0 =	simm.s32 @!p1 $0x0  }
0x14: {  	s2 =	sld [smem:$0x3F9C];
	s0 =	simm.s32 @p1 $0x1  }
0x15: {  	[smem:$0x3FB9] =	sst s0;
	s0 =	simm.s32 @!p2 $0x0  }
0x16: {  	s3 =	sld [smem:$0x3FDB];
	s0 =	simm.s32 @p2 $0x1  }
0x17: {  	s4 =	simm.s32 $0x1BF5;
	[smem:$0x3FBB] =	sst s0  }
0x18: {  	s0 =	sld [smem:$0x3F9E];
	_ =	swait.ge [sflag:s4], $0x0  }
0x19: {  	s7 =	sld [smem:$0x3F9F]  }
0x1a: {  	s8 =	sadd.s32 $0xFFFFE003, lr  }
0x1b: {  	s9 =	sadd.s32 $0xFFFFFEF7, lr;
	s5 =	simm.s32 $0xFFFFFFFF;
	p2 =	slt.u32 s8, $0xFFFFF086  }
0x1c: {  	p1 =	slt.u32 s9, $0xF7A;
	s5 =	simm.s32 @!p2 $0x0  }
0x1d: {  	s5 =	simm.s32 @p1 $0x1;
	p0 =	seq.s32 s7, s2  }
0x1e: {  	s7 =	smul.u32 @!p0 $0xF7A, s2;
	p2 =	seq.s32 @!p0 s5, $0x0  }
0x1f: {  	s9 =	smul.u32 $0xF7A, s1;
	s8 =	simm.s32 @!p0 $0x1BF5;
	p2 =	por !p2, p0  }
0x20: {  	[sflag:s8] =	ssyncset.s32 @!p0 $0xFFFFF086;
	s6 =	sadd.s32 @!p0 s3, s7;
	s7 =	simm.s32 @!p0 $0x108  }
0x21: {  	s3 =	sadd.s32 s3, s9;
	s6 =	sadd.s32 @!p0 $0x88, s6;
	s7 =	simm.s32 @p2 $0x1082  }
0x22: {  	[simem:s7], [sflag:s8] =	dma.local @!p0 [hbm:s6], $0xF7A  }
0x23: {  	s9 =	sor.u32 $0xD0000000, s2;
	s6 =	simm.s32 $0x108;
	_ =	swait.ge @!p0 [sflag:s8], $0x0  }
0x24: {  	s3 =	sadd.s32 $0x88, s3;
	s6 =	simm.s32 @!p1 $0x1082;
	[sflag:s4] =	ssyncset.s32 $0xFFFFF086  }
0x25: {  	[simem:s6], [sflag:s4] =	dma.local [hbm:s3], $0xF7A  }
0x26: {  	[smem:$0x3F9F] =	sst s1;
	(tag) =	ssettag s2;
	_ =	strace s9  }
0x27: {  	s1 =	sld [smem:$0x3FAF]  }
0x28: {  	s2 =	sld [smem:$0x3FB0]  }
0x29: {  	s4 =	sld [smem:$0x3FB2]  }
0x2a: {  	p0 =	seq.s32 s5, $0x0;
	s5 =	sld [smem:$0x3FB3]  }
0x2b: {  	s6 =	sld [smem:$0x3FB4]  }
0x2c: {  	s7 =	sld [smem:$0x3FB5]  }
0x2d: {  	s3 =	simm.s32 $0x108;
	s8 =	sld [smem:$0x3FB6]  }
0x2e: {  	s3 =	simm.s32 @!p0 $0x1082;
	s9 =	sld [smem:$0x3FB7]  }
0x2f: {  	lr =	sadd.s32 s0, s3;
	s0 =	sld [smem:$0x3FAE]  }
0x30: {  	s3 =	sld [smem:$0x3FB1]  }
0x31: {  	[smem:$0x3FBA] =	sst s10  }
0x32: {  	s10 =	sld [smem:$0x3FB8];
	_ =	sdelay $0x3  }
0x33: {  	p0 =	seq.s32 s10, $0x1;
	s10 =	sld [smem:$0x3FBA];
	_ =	sdelay $0x3  }
0x34: {  	[smem:$0x3FBA] =	sst s10  }
0x35: {  	s10 =	sld [smem:$0x3FB9];
	_ =	sdelay $0x3  }
0x36: {  	p1 =	seq.s32 s10, $0x1;
	s10 =	sld [smem:$0x3FBA];
	_ =	sdelay $0x3  }
0x37: {  	[smem:$0x3FBA] =	sst s10  }
0x38: {  	s10 =	sld [smem:$0x3FBB]  }
0x39: {  	_ = 	snop;
	(pc) =	sbr.ind lr, $3  }
0x3a: {  	_ = 	snop  }
0x3b: {  	_ = 	snop  }
0x3c: {  	p2 =	seq.s32 s10, $0x1;
	s10 =	sld [smem:$0x3FBA]  }
0x3d: {  	_ =	shalt  }
0x3e: {  	_ =	shalt  }
0x3f: {  	_ =	shalt  }
0x40: {  	_ =	shalt  }
0x41: {  	_ =	shalt  }
0x42: {  	_ =	shalt  }
0x43: {  	_ =	shalt  }
0x44: {  	_ =	shalt  }
0x45: {  	_ =	shalt  }
0x46: {  	_ =	shalt  }
0x47: {  	_ =	shalt  }
0x48: {  	_ =	shalt  }
0x49: {  	_ =	shalt  }
0x4a: {  	_ =	shalt  }
0x4b: {  	_ =	shalt  }
0x4c: {  	_ =	shalt  }
0x4d: {  	_ =	shalt  }
0x4e: {  	_ =	shalt  }
0x4f: {  	_ =	shalt  }
0x50: {  	_ =	shalt  }
0x51: {  	_ =	shalt  }
0x52: {  	_ =	shalt  }
0x53: {  	_ =	shalt  }
0x54: {  	_ =	shalt  }
0x55: {  	_ =	shalt  }
0x56: {  	_ =	shalt  }
0x57: {  	_ =	shalt  }
0x58: {  	_ =	shalt  }
0x59: {  	_ =	shalt  }
0x5a: {  	_ =	shalt  }
0x5b: {  	_ =	shalt  }
0x5c: {  	_ =	shalt  }
0x5d: {  	_ =	shalt  }
0x5e: {  	_ =	shalt  }
0x5f: {  	_ =	shalt  }
0x60: {  	_ =	shalt  }
0x61: {  	_ =	shalt  }
0x62: {  	_ =	shalt  }
0x63: {  	_ =	shalt  }
0x64: {  	_ =	shalt  }
0x65: {  	_ =	shalt  }
0x66: {  	_ =	shalt  }
0x67: {  	_ =	shalt  }
0x68: {  	_ =	shalt  }
0x69: {  	_ =	shalt  }
0x6a: {  	_ =	shalt  }
0x6b: {  	_ =	shalt  }
0x6c: {  	_ =	shalt  }
0x6d: {  	_ =	shalt  }
0x6e: {  	_ =	shalt  }
0x6f: {  	_ =	shalt  }
0x70: {  	_ =	shalt  }
0x71: {  	_ =	shalt  }
0x72: {  	_ =	shalt  }
0x73: {  	_ =	shalt  }
0x74: {  	_ =	shalt  }
0x75: {  	_ =	shalt  }
0x76: {  	_ =	shalt  }
0x77: {  	_ =	shalt  }
0x78: {  	_ =	shalt  }
0x79: {  	_ =	shalt  }
0x7a: {  	_ =	shalt  }
0x7b: {  	_ =	shalt  }
0x7c: {  	_ =	shalt  }
0x7d: {  	_ =	shalt  }
0x7e: {  	_ =	shalt  }
0x7f: {  	_ =	shalt  }
0x80: {  	_ =	shalt  }
0x81: {  	_ =	shalt  }
0x82: {  	_ =	shalt  }
0x83: {  	_ =	shalt  }
0x84: {  	_ =	shalt  }
0x85: {  	_ =	shalt  }
0x86: {  	_ =	shalt  }
0x87: {  	_ =	shalt  }
.Lfunc_end0:
.L_simem_size_0:
called_computation_lowered:
.L_overlay_start_0:
0x88: {  	s2 =	sld [smem:$0x3FD9]  }
0x89: {  	s3 =	sld [smem:$0x3FFE];
	_ =	sdelay $0x1  }
0x8a: {  	s1 =	srdreg.scid  }
0x8b: {  	s0 =	sand.u32 $0x1, s1  }
0x8c: {  	s17 =	sshll.u32 s0, $0xA;
	s2 =	sadd.s32 s3, s2  }
0x8d: {  	s2 =	sadd.s32 s2, s17  }
0x8e: {  	[smem:$0x3FC6] =	sst s2  }
0x8f: {  	_ = 	snop  }
0x90: {  	s2 =	sld [smem:$0x3FC8]  }
0x91: {  	s18 =	sld [smem:$0x3FD0];
	(tm) =	ssettm $0x1  }
0x92: {  	s4 =	sld [smem:$0x3FFB];
	_ =	sdelay $0x3  }
0x93: {  	_ =	strace s4  }
0x94: {  	s4 =	sld [smem:$0x3FFC];
	_ =	sdelay $0x3  }
0x95: {  	_ =	strace s4  }
0x96: {  	s4 =	sld [smem:$0x3FFD];
	_ =	sdelay $0x3  }
0x97: {  	_ =	strace s4  }
0x98: {  	_ =	strace $0x8FFFFFFF  }
0x99: {  	s19 =	sld [smem:$0x3FDB];
	_ =	sdelay $0x1  }
0x9a: {  	s5 =	simm.s32 $_scs_section_size  }
0x9b: {  	s6 =	simm.s32 $_size__tile_overlayer_lowered;
	s7 =	simm.s32 $_tile_overlayer_lowered  }
0x9c: {  	s22 =	simm.s32 $0x1BFF;
	s21 =	sshll.u32 s7, $0x1;
	s4 =	sadd.s32 s5, s19  }
0x9d: {  	s8 =	simm.s32 $0x0;
	s20 =	sshll.u32 s6, $0x1;
	s6 =	sadd.s32 s21, s4  }
0x9e: {  	[timem:s8], [sflag:s22] =	dma.local [hbm:s6], s20  }
0x9f: {  	_ =	swait.ge [sflag:s22], s20  }
0xa0: {  	s5 =	ssub.s32 $0x0, s20;
	[sflag:s22] =	ssyncset.done $0x0  }
0xa1: {  	[sflag:s22] =	ssyncadd.s32 s5;
	_ =	sdelay $0x1  }
0xa2: {  	s23 =	simm.s32 $0x1B8B  }
0xa3: {  	_ =	swait.ge [sflag:s23], $0x1  }
0xa4: {  	[sflag:s23] =	ssyncset.done $0x0  }
0xa5: {  	s25 =	simm.s32 $0x1B8E;
	s24 =	sld [smem:$0x3FFE];
	[sflag:s23] =	ssyncadd.s32 $0xFFFFFFFF  }
0xa6: {  	s26 =	simm.s32 $execute0_lowered;
	[smem:$0x3FD2] =	sst s25  }
0xa7: {  	s6 =	sshll.u32 s26, $0x1;
	_ =	strace $0x80000046;
	[dreg:$0x1] =	wrdreg $0xFFFFFFFF  }
0xa8: {  	s28 =	simm.s32 $_size_execute0_lowered;
	s4 =	sadd.s32 s4, s6;
	[dreg:$0x0] =	wrdreg $0x0  }
0xa9: {  	s6 =	sshll.u32 s28, $0x1;
	[dreg:$0x2] =	wrdreg s4  }
0xaa: {  	[dreg:$0x3] =	wrdreg s6  }
0xab: {  	[dreg:$0x4] =	wrdreg $0xC0  }
0xac: {  	_ =	task [dreg:s8], $0x5FFFF  }
0xad: {  	[dreg:$0x1] =	wrdreg $0xFFFFFFFF  }
0xae: {  	[dreg:$0x0] =	wrdreg $0x60  }
0xaf: {  	[dreg:$0x2] =	wrdreg s24  }
0xb0: {  	[dreg:$0x3] =	wrdreg s2  }
0xb1: {  	[dreg:$0x4] =	wrdreg s18  }
0xb2: {  	[dreg:$0x5] =	wrdreg $0x164000  }
0xb3: {  	[dreg:$0x6] =	wrdreg $0x9  }
0xb4: {  	_ =	task.clear_ibuf [dreg:s8], $0x7FFFF;
	_ =	strace $0x90000046  }
0xb5: {  	s29 =	simm.s32 $0x9;
	_ =	strace $0x80000048  }
0xb6: {  	_ =	swait.ge [sflag:s29], $0x1  }
0xb7: {  	[sflag:s29] =	ssyncadd.s32 $0xFFFFFFFF  }
0xb8: {  	_ =	strace $0x90000048  }
0xb9: {  	_ =	sfence  }
0xba: {  	s30 =	sld [smem:$0x0];
	_ =	sdelay $0x2  }
0xbb: {  	s31 =	sshll.u32 s1, $0xD;
	s1 =	sshrl.u32 s1, $0x2  }
0xbc: {  	s3 =	sand.u32 $0x4000, s31;
	s1 =	sadd.s32 s1, s30  }
0xbd: {  	s0 =	sor.u32 s3, s0;
	s1 =	sshll.u32 s1, $0x11  }
0xbe: {  	s0 =	sor.u32 s1, s0  }
0xbf: {  	s0 =	sadd.s32 $0x8F2B, s0  }
0xc0: {  	[sflag:s0] =	ssyncadd.remote.s32 $0x1  }
0xc1: {  	_ =	sfence.sel $0xFFFF  }
0xc2: {  	[dreg:$0x0] =	wrdreg $0xFFFFFFFF;
	(pc) =	sbr.abs _section_cstart, $3  }
0xc3: {  	[dreg:$0x1] =	wrdreg $0xFFFFFFFF  }
0xc4: {  	_ =	task.clear_ibuf [dreg:s8], $0x2FFFF;
	_ =	strace $0x9FFFFFFF  }
0xc5: {  	(tm) =	ssettm $0x7FFFFFFF  }
tec
execute0_lowered:
.L_overlay_start_1:
0x0: {  	(tag) =	ssettag $0x1  }
0x1: {  	s0 =	rddreg [dreg:$0x0]  }
0x2: {  	s1 =	rddreg [dreg:$0x1]  }
0x3: {  	s2 =	srdreg.scid;
	s10 =	rddreg [dreg:$0x2]  }
0x4: {  	s15 =	stileid.u32;
	s5 =	rddreg [dreg:$0x3];
	s24 =	simm.s32 $0x0  }
0x5: {  	s11 =	simm.s32 $0x9;
	s12 =	simm.s32 $0x80;
	s13 =	simm.s32 $0x6400  }
0x6: {  	s14 =	simm.s32 $0xA400;
	s20 =	simm.s32 $0x1;
	s28 =	simm.s32 $0x8  }
0x7: {  	s29 =	simm.s32 $0x0;
	s2 =	sand.u32 $0x1, s2;
	s3 =	sshll.u32 s15, $0x1  }
0x8: {  	[smem:$0x7FF] =	sst s24;
	s8 =	smul.u32 $0x640000, s15;
	s26 =	sshll.u32 s15, $0xF  }
0x9: {  	s19 =	sshll.u32 s15, $0x6;
	s24 =	simm.s32 $0x2;
	s4 =	sor.u32 s2, s3  }
0xa: {  	s7 =	ssub.s32 $0x2, s2;
	_ =	strace $0x80000047;
	s2 =	smul.u32 $0x320000, s2  }
0xb: {  	s5 =	sadd.s32 s26, s5;
	s21 =	sor.u32 $0x1C07, s19;
	s6 =	smul.u32 $0xC80, s4  }
0xc: {  	s26 =	simm.s32 $0x7;
	s9 =	sshrl.u32 s7, $0x1;
	s25 =	smul.u32 $0x320000, s4  }
0xd: {  	s22 =	sshrl.u32 s5, $0x3;
	s9 =	ssub.s32 s7, s9;
	s2 =	sadd.s32 s2, s8  }
0xe: {  	s0 =	sadd.s32 s6, s0;
	s30 =	sshrl.u32 s25, $0x3;
	s2 =	sor.u32 $0x4000, s2  }
0xf: {  	s6 =	sadd.s32 $0x4000, s5;
	s9 =	smax.u32 s9, $0x1;
	s25 =	simm.s32 $0x6  }
0x10: {  	s0 =	sadd.s32 $0x400, s0;
	s7 =	sadd.s32 s10, s30;
	s31 =	sshrl.u32 s2, $0x3  }
0x11: {  	[dreg:$0x5] =	wrdreg s0;
	s8 =	sadd.s32 $0x63800, s7;
	s10 =	sadd.s32 s31, s10  }
.LBB2_1:
0x12: {  	s0 =	simm.s32 $0x0;
	s2 =	rddreg [dreg:$0x5]  }
0x13: {  	[tilespmem:s0], [sflag:$0x9] =	stream.linear.gather [hbm4b:s2+s0], $0x6400, $0x38;
	[tilespmem:$0x1E400] =	vst v63  }
0x14: {  	_ =	swait.ge [sflag:s11], $0x6400  }
0x15: {  	[sflag:s11] =	ssyncset.done $0x0  }
0x16: {  	[sflag:s11] =	ssyncadd.s32 $0xFFFF9C00  }
0x17: {  	[tilespmem:s13], [sflag:$0x1] =	stream.indirect.gather [hbm4b:s1+s12], $0x80, s0, s12, $0xb8;
	[tilespmem:$0x1E400] =	vst v63  }
0x18: {  	_ = 	snop  }
0x19: {  	[tilespmem:s14], [sflag:$0x2] =	stream.indirect.gather [hbm4b:s1+s12], $0x80, s12, s12, $0xb8;
	[tilespmem:$0x1E400] =	vst v63  }
0x1a: {  	s15 =	simm.s32 $0x100;
	s16 =	simm.s32 $0xE400  }
0x1b: {  	[tilespmem:s16], [sflag:$0x3] =	stream.indirect.gather [hbm4b:s1+s12], $0x80, s15, s12, $0xb8;
	[tilespmem:$0x1E400] =	vst v63  }
0x1c: {  	s17 =	simm.s32 $0x180;
	s18 =	simm.s32 $0x12400  }
0x1d: {  	[tilespmem:s18], [sflag:$0x4] =	stream.indirect.gather [hbm4b:s1+s12], $0x80, s17, s12, $0xb8;
	[tilespmem:$0x1E400] =	vst v63  }
0x1e: {  	_ =	swait.ge [sflag:s20], $0x4000  }
0x1f: {  	[sflag:s20] =	ssyncset.done $0x0  }
0x20: {  	s0 =	simm.s32 $0x5;
	[sflag:s20] =	ssyncadd.s32 $0xFFFFC000  }
0x21: {  	[spmem:s5] =	stream.linear.scatter [tilespmem:s13], [sflag:$0x5], $0x4000, $0x38;
	[tilespmem:$0x1E400] =	vst v63  }
0x22: {  	s23 =	simm.s32 $0x200;
	_ =	swait.ge [sflag:s0], $0x4000  }
0x23: {  	s3 =	simm.s32 $0x1;
	s30 =	simm.s32 $0x280;
	[sflag:s0] =	ssyncset.done $0x0  }
0x24: {  	p0 =	por $0x0, $0x0;
	s2 =	sand.u32 $0x1, s3;
	[sflag:s0] =	ssyncadd.s32 $0xFFFFC000  }
0x25: {  	[hbm:s7], [sflag:s21] =	dma.local [spmem:s22], $0x800  }
0x26: {  	[tilespmem:s13], [sflag:$0x1] =	stream.indirect.gather [hbm4b:s1+s12], $0x80, s23, s12, $0xb8;
	[tilespmem:$0x1E400] =	vst v63  }
0x27: {  	s15 =	simm.s32 $0x2;
	s16 =	sadd.s32 $0x5, s2;
	_ =	swait.ge [sflag:s24], $0x4000  }
0x28: {  	s17 =	sor.u32 s19, s2;
	s2 =	sshll.u32 s2, $0xE;
	[sflag:s24] =	ssyncset.done $0x0  }
0x29: {  	s18 =	sand.u32 $0x3, s15;
	s15 =	sand.u32 $0x1, s15;
	[sflag:s24] =	ssyncadd.s32 $0xFFFFC000  }
0x2a: {  	[spmem:s6] =	stream.linear.scatter [tilespmem:s14], [sflag:$0x6], $0x4000, $0x38;
	[tilespmem:$0x1E400] =	vst v63  }
0x2b: {  	s2 =	sadd.s32 s2, s5;
	s4 =	sadd.s32 $0x1C07, s17;
	_ =	swait.ge [sflag:s16], $0x4000  }
0x2c: {  	s2 =	sshrl.u32 s2, $0x3;
	s0 =	sand.u32 @!p0 $0x3, s0;
	[sflag:s16] =	ssyncset.done $0x0  }
0x2d: {  	s17 =	sshll.u32 @!p0 s0, $0xE;
	s0 =	sadd.s32 @!p0 $0x1, s0;
	[sflag:s16] =	ssyncadd.s32 $0xFFFFC000  }
0x2e: {  	[hbm:s10], [sflag:s4] =	dma.local [spmem:s2], $0x800  }
0x2f: {  	s16 =	sadd.s32 @!p0 $0x6400, s17;
	s17 =	sadd.s32 $0x1, s18;
	s2 =	simm.s32 @!p0 $0x80  }
0x30: {  	[tilespmem:s16], [sflag:s0] =	stream.indirect.gather @!p0 [hbm4b:s1+s2], $0x80, s30, s2, $0xb8;
	[tilespmem:$0x1E400] =	vst v63  }
0x31: {  	s31 =	simm.s32 $0x6;
	s23 =	sshll.u32 s15, $0xE;
	_ =	swait.ge [sflag:s17], $0x4000  }
0x32: {  	s18 =	sshll.u32 s18, $0xE;
	s0 =	sadd.s32 $0x7, s15;
	[sflag:s17] =	ssyncset.done $0x0  }
0x33: {  	s15 =	sadd.s32 $0x5, s15;
	s2 =	sadd.s32 $0x800, s10;
	[sflag:s17] =	ssyncadd.s32 $0xFFFFC000  }
0x34: {  	s16 =	sadd.s32 $0x6400, s18;
	s17 =	sadd.s32 s23, s5;
	_ =	swait.ge [sflag:s0], $0x800  }
.LBB2_2:
0x35: {  	[sflag:s0] =	ssyncset.done $0x0  }
0x36: {  	s30 =	sadd.s32 $0x80, s30;
	s18 =	smov.u32 s31;
	s31 =	sadd.s32 $0x1, s31  }
0x37: {  	p0 =	sne.s32 s31, $0xCB;
	[sflag:s0] =	ssyncadd.s32 $0xFFFFF800  }
0x38: {  	[spmem:s17] =	stream.linear.scatter [tilespmem:s16], [sflag:s15], $0x4000, $0x38;
	[tilespmem:$0x1E400] =	vst v63  }
0x39: {  	s0 =	sadd.s32 $0xFFFFFFFC, s18  }
0x3a: {  	s15 =	sadd.s32 $0xFFFFFFFD, s18;
	s0 =	sand.u32 $0x1, s0  }
0x3b: {  	s16 =	sadd.s32 $0x5, s0;
	s17 =	sor.u32 s19, s0;
	s0 =	sshll.u32 s0, $0xE  }
0x3c: {  	p1 =	sgt.u32 s15, $0xC4;
	s0 =	sadd.s32 s0, s5;
	_ =	swait.ge [sflag:s16], $0x4000  }
0x3d: {  	s23 =	sand.u32 $0x3, s15;
	s18 =	sand.u32 @!p1 $0x3, s18;
	[sflag:s16] =	ssyncset.done $0x0  }
0x3e: {  	s0 =	sshrl.u32 s0, $0x3;
	[sflag:s16] =	ssyncadd.s32 $0xFFFFC000;
	s16 =	sadd.s32 $0x1, s23  }
0x3f: {  	s17 =	sadd.s32 $0x1C07, s17;
	s4 =	simm.s32 @!p1 $0x80;
	s3 =	sshll.u32 @!p1 s18, $0xE  }
0x40: {  	[hbm:s2], [sflag:s17] =	dma.local [spmem:s0], $0x800  }
0x41: {  	s15 =	sand.u32 $0x1, s15;
	s0 =	sadd.s32 @!p1 $0x6400, s3;
	s3 =	sadd.s32 @!p1 $0x1, s18  }
0x42: {  	[tilespmem:s0], [sflag:s3] =	stream.indirect.gather @!p1 [hbm4b:s1+s4], $0x80, s30, s4, $0xb8;
	[tilespmem:$0x1E400] =	vst v63  }
.Ltmp0:
0x43: {  	_ = 	snop;
	(pc) =	sbr.rel @p0 .LBB2_2-.Ltmp0, $4  }
0x44: {  	s3 =	sshll.u32 s23, $0xE;
	s0 =	sadd.s32 $0x7, s15;
	_ =	swait.ge [sflag:s16], $0x4000  }
0x45: {  	s4 =	sshll.u32 s15, $0xE;
	[sflag:s16] =	ssyncset.done $0x0  }
0x46: {  	s2 =	sadd.s32 $0x800, s2;
	s15 =	sadd.s32 $0x5, s15;
	[sflag:s16] =	ssyncadd.s32 $0xFFFFC000  }
0x47: {  	s17 =	sadd.s32 s4, s5;
	s16 =	sadd.s32 $0x6400, s3;
	_ =	swait.ge [sflag:s0], $0x800  }
0x48: {  	[sflag:s0] =	ssyncset.done $0x0  }
0x49: {  	[sflag:s0] =	ssyncadd.s32 $0xFFFFF800  }
0x4a: {  	[spmem:s17] =	stream.linear.scatter [tilespmem:s16], [sflag:s15], $0x4000, $0x38;
	[tilespmem:$0x1E400] =	vst v63  }
0x4b: {  	_ =	swait.ge [sflag:s25], $0x4000  }
0x4c: {  	s31 =	sor.u32 $0x1C08, s19;
	[sflag:s25] =	ssyncset.done $0x0  }
0x4d: {  	s2 =	sshrl.u32 s6, $0x3;
	s29 =	sadd.s32 $0x1, s29;
	[sflag:s25] =	ssyncadd.s32 $0xFFFFC000  }
0x4e: {  	[hbm:s8], [sflag:s31] =	dma.local [spmem:s2], $0x800  }
0x4f: {  	p0 =	sne.s32 s29, s9;
	_ =	swait.ge [sflag:s26], $0x800  }
.Ltmp1:
0x50: {  	[sflag:s26] =	ssyncset.done $0x0;
	(pc) =	sbr.rel @p0 .LBB2_1-.Ltmp1, $4  }
0x51: {  	[sflag:s26] =	ssyncadd.s32 $0xFFFFF800  }
0x52: {  	_ =	swait.ge [sflag:s28], $0x800  }
0x53: {  	[sflag:s28] =	ssyncset.done $0x0  }
0x54: {  	[sflag:s28] =	ssyncadd.s32 $0xFFFFF800  }
0x55: {  	_ =	sfence.sel $0x180000  }
0x56: {  	[bflag:$0x0] =	sbarrier.arrive $0xFFFF  }
0x57: {  	_ =	strace $0x90000047  }
0x58: {  	s0 =	stileid.u32;
	[bflag:$0x2] =	sbarrier.arrive $0xFFFF  }
0x59: {  	p0 =	sne.s32 s0, $0x0;
	s0 =	rddreg [dreg:$0x4]  }
0x5a: {  	s0 =	sadd.s32 @!p0 $0x100000, s0  }
0x5b: {  	[sflag:s0] =	ssyncadd.tile.s32 @!p0 $0x1;
	_ =	shalt  }
.Lfunc_end2:
_tile_overlayer_lowered:
.L_overlay_start_2:
0x5c: {  	(tag) =	ssettag $0x2  }
0x5d: {  	s0 =	rddreg [dreg:$0x0];
	s2 =	stileid.u32  }
0x5e: {  	s1 =	rddreg [dreg:$0x1];
	p0 =	sne.s32 s2, $0x0  }
0x5f: {  	s3 =	rddreg [dreg:$0x2];
	[bflag:$0x3] =	sbarrier.arrive $0xFFFF;
	s2 =	simm.s32 @!p0 $0x1C09  }
0x60: {  	[timem:s3], [sflag:s2] =	dma.local @!p0 [hbm:s0], s1  }
0x61: {  	s0 =	simm.s32 @!p0 $0x9  }
0x62: {  	_ =	swait.ge @!p0 [sflag:s0], s1  }
0x63: {  	s1 =	ssub.s32 @!p0 $0x0, s1;
	[sflag:s0] =	ssyncset.done @!p0 $0x0  }
0x64: {  	[sflag:s0] =	ssyncadd.s32 @!p0 s1  }
0x65: {  	[bflag:$0x3] =	sbarrier.arrive $0xFFFF  }
0x66: {  	_ =	shalt  }

</sc_bundles>
